<compile_context>
chip_gen: v7x
topology: tpu7x:2x2x1
jax: 0.10.2.dev20260603
libtpu: 0.0.44.dev20260713+nightly
codegen_flags: <defaults>
</compile_context>

<pallas_src>
import jax
import jax.numpy as jnp
from jax.experimental import pallas as pl
from jax.experimental.pallas import tpu as pltpu

_BM = 512


def _mm_scale_kernel(a_ref, b_ref, d_ref, o_ref):
    acc = jnp.dot(
        a_ref[...].astype(jnp.bfloat16),
        b_ref[...].astype(jnp.bfloat16),
        preferred_element_type=jnp.float32,
    )
    dv = d_ref[0, 0, :]
    o_ref[...] = acc * dv[:, None]


def _mm_thresh_kernel(a_ref, b_ref, o_ref):
    x = jnp.dot(
        a_ref[...].astype(jnp.bfloat16),
        b_ref[...].astype(jnp.bfloat16),
        preferred_element_type=jnp.float32,
    )
    o_ref[...] = x - jnp.clip(x, -1e-6, 1e-6)


def kernel(input, support0, support1, h0, f, weight, lamda, alpha, l):
    n, feat = input.shape
    d3 = jnp.diagonal(f).reshape(n // _BM, 1, _BM)

    grid = (n // _BM,)
    params = pltpu.CompilerParams(dimension_semantics=("arbitrary",))

    tmp = pl.pallas_call(
        _mm_scale_kernel,
        grid=grid,
        in_specs=[
            pl.BlockSpec((_BM, n), lambda i: (i, 0)),
            pl.BlockSpec((n, feat), lambda i: (0, 0)),
            pl.BlockSpec((1, 1, _BM), lambda i: (i, 0, 0)),
        ],
        out_specs=pl.BlockSpec((_BM, feat), lambda i: (i, 0)),
        out_shape=jax.ShapeDtypeStruct((n, feat), jnp.float32),
        compiler_params=params,
    )(support1, input, d3)

    out = pl.pallas_call(
        _mm_thresh_kernel,
        grid=grid,
        in_specs=[
            pl.BlockSpec((_BM, n), lambda i: (i, 0)),
            pl.BlockSpec((n, feat), lambda i: (0, 0)),
        ],
        out_specs=pl.BlockSpec((_BM, feat), lambda i: (i, 0)),
        out_shape=jax.ShapeDtypeStruct((n, feat), jnp.float32),
        compiler_params=params,
    )(support0, tmp)

    return out

# --- scband reference (transcript-rebuilt; emitter-appended) ---
"""Pipeline reference for scband-wavelet-convolution-65901978190182 (READ-ONLY COPY).

The authoritative reference and input builder live on the scoring server;
editing this copy changes nothing except your own understanding.
"""

import jax, jax.numpy as jnp
import numpy as np
import math

NNODE = 4096
IN_F = 512
OUT_F = 512


def soft_thresholding(feat, threshold):
    # sign_mask_2 buffer starts at zeros each fresh call; entries set to -1/+1 where feat<0/feat>0
    sign_mask = jnp.where(feat < 0, -1.0, jnp.where(feat > 0, 1.0, 0.0)).astype(feat.dtype)
    mod_feat = jnp.abs(feat)
    mod_feat = jnp.where(mod_feat > threshold, mod_feat - threshold, jnp.zeros_like(mod_feat))
    return mod_feat * sign_mask


def setup_inputs(seed: int = 0) -> dict:
    key = jax.random.key(seed)
    k1, k2, k3, k4, k5 = jax.random.split(key, 5)
    inp = {}
    inp["input"] = jax.random.normal(k1, (NNODE, IN_F), dtype=jnp.float32)
    inp["support0"] = jax.random.normal(k2, (NNODE, NNODE), dtype=jnp.float32)
    inp["support1"] = jax.random.normal(k3, (NNODE, NNODE), dtype=jnp.float32)
    inp["h0"] = jax.random.normal(k4, (NNODE, IN_F), dtype=jnp.float32)
    # module buffer f = diag(ones(nnode) * 1.2)
    inp["f"] = jnp.eye(NNODE, dtype=jnp.float32) * 1.2
    # learned weight (allocated by module, unused in forward) -- uniform(-stdv, stdv)
    stdv = 1.0 / math.sqrt(OUT_F)
    inp["weight"] = jax.random.uniform(k5, (IN_F, OUT_F), dtype=jnp.float32, minval=-stdv, maxval=stdv)
    inp["lamda"] = 1
    inp["alpha"] = 1
    inp["l"] = 1
    return inp


def reference(input, support0, support1, h0, f, weight, lamda, alpha, l):
    beta = jnp.log(lamda / l + 1)  # computed but unused downstream (faithful to source)
    bala1 = jnp.matmul(support0, f)          # torch.spmm(support0, self.f)
    bala2 = jnp.matmul(bala1, support1)      # torch.mm
    hi = jnp.matmul(bala2, input)            # torch.mm
    hi = soft_thresholding(hi, 10 ** (-6))
    # variant=False branch
    support = (1 - alpha) * hi + alpha * h0
    r = support  # unused (faithful)
    output = hi
    # residual=False, so output stays hi
    return output

if __name__ == "__main__":
    import jax
    _d = setup_inputs()
    print(jax.jit(kernel)(*tuple(_d.values())))

</pallas_src>

<mosaic_0001>
module attributes {stable_mosaic.version = 14 : i64} {
  func.func @_mm_scale_kernel(%arg0: i32, %arg1: memref<512x4096xf32, #tpu.memory_space<vmem>>, %arg2: memref<4096x512xf32, #tpu.memory_space<vmem>>, %arg3: memref<1x1x512xf32, #tpu.memory_space<vmem>>, %arg4: memref<512x512xf32, #tpu.memory_space<vmem>>) attributes {dimension_semantics = [#tpu.dimension_semantics<arbitrary>], iteration_bounds = array<i64: 8>, scalar_prefetch = 0 : i64, scratch_operands = 0 : i64, tpu.core_type = #tpu.core_type<tc>, window_params = [{transform_indices = @transform_0, window_bounds = array<i64: 512, 4096>}, {pipeline_mode = #tpu.pipeline_mode<synchronous>, transform_indices = @transform_1, window_bounds = array<i64: 4096, 512>}, {transform_indices = @transform_2, window_bounds = array<i64: 1, 1, 512>}, {transform_indices = @transform_3, window_bounds = array<i64: 512, 512>}]} {
    %get3A = arith.constant 0 : index
    %get3A_0 = arith.constant 0 : index
    %get3A_1 = vector.load %arg1[%get3A, %get3A_0] : memref<512x4096xf32, #tpu.memory_space<vmem>>, vector<512x4096xf32>
    %convert_element_type3A = arith.truncf %get3A_1 : vector<512x4096xf32> to vector<512x4096xbf16>
    %get3A_2 = arith.constant 0 : index
    %get3A_3 = arith.constant 0 : index
    %get3A_4 = vector.load %arg2[%get3A_2, %get3A_3] : memref<4096x512xf32, #tpu.memory_space<vmem>>, vector<4096x512xf32>
    %convert_element_type3A_5 = arith.truncf %get3A_4 : vector<4096x512xf32> to vector<4096x512xbf16>
    %dot_general3A = arith.constant dense<0.000000e+00> : vector<512x512xf32>
    %dot_general3A_6 = tpu.matmul %convert_element_type3A, %convert_element_type3A_5, %dot_general3A {dimension_numbers = #tpu.dot_dimension_numbers<[1], [0], [0], [1], [0, 0, 1, 1], [], []>, transpose_lhs_hint = false} : vector<512x4096xbf16>, vector<4096x512xbf16>, vector<512x512xf32> -> vector<512x512xf32>
    %get3A_7 = arith.constant 0 : index
    %get3A_8 = arith.constant 0 : index
    %get3A_9 = arith.constant 0 : index
    %get3A_10 = vector.load %arg3[%get3A_7, %get3A_8, %get3A_9] : memref<1x1x512xf32, #tpu.memory_space<vmem>>, vector<1x1x512xf32>
    %get3A_11 = vector.shape_cast %get3A_10 : vector<1x1x512xf32> to vector<512xf32>
    %broadcast_in_dim3A = vector.shape_cast %get3A_11 : vector<512xf32> to vector<512x1xf32>
    %mul3A = vector.broadcast %broadcast_in_dim3A : vector<512x1xf32> to vector<512x512xf32>
    %mul3A_12 = arith.mulf %dot_general3A_6, %mul3A : vector<512x512xf32>
    %swap3A = arith.constant 0 : index
    %swap3A_13 = arith.constant 0 : index
    %swap3A_14 = vector.load %arg4[%swap3A, %swap3A_13] : memref<512x512xf32, #tpu.memory_space<vmem>>, vector<512x512xf32>
    tpu.vector_store %arg4[%swap3A, %swap3A_13], %mul3A_12 {strides = array<i32>} : memref<512x512xf32, #tpu.memory_space<vmem>>, vector<512x512xf32>,
    return
  }
  func.func @transform_0(%arg0: i32) -> (i32, i32) {
    %c0_i32 = arith.constant 0 : i32
    %c0_i32_0 = arith.constant 0 : i32
    return %arg0, %c0_i32 : i32, i32
  }
  func.func @transform_1(%arg0: i32) -> (i32, i32) {
    %c0_i32 = arith.constant 0 : i32
    %c0_i32_0 = arith.constant 0 : i32
    %c0_i32_1 = arith.constant 0 : i32
    return %c0_i32, %c0_i32_0 : i32, i32
  }
  func.func @transform_2(%arg0: i32) -> (i32, i32, i32) {
    %c0_i32 = arith.constant 0 : i32
    %c0_i32_0 = arith.constant 0 : i32
    %c0_i32_1 = arith.constant 0 : i32
    return %arg0, %c0_i32, %c0_i32_0 : i32, i32, i32
  }
  func.func @transform_3(%arg0: i32) -> (i32, i32) {
    %c0_i32 = arith.constant 0 : i32
    %c0_i32_0 = arith.constant 0 : i32
    return %arg0, %c0_i32 : i32, i32
  }
}

module attributes {stable_mosaic.version = 14 : i64} {
  func.func @_mm_thresh_kernel(%arg0: i32, %arg1: memref<512x4096xf32, #tpu.memory_space<vmem>>, %arg2: memref<4096x512xf32, #tpu.memory_space<vmem>>, %arg3: memref<512x512xf32, #tpu.memory_space<vmem>>) attributes {dimension_semantics = [#tpu.dimension_semantics<arbitrary>], iteration_bounds = array<i64: 8>, scalar_prefetch = 0 : i64, scratch_operands = 0 : i64, tpu.core_type = #tpu.core_type<tc>, window_params = [{transform_indices = @transform_0, window_bounds = array<i64: 512, 4096>}, {pipeline_mode = #tpu.pipeline_mode<synchronous>, transform_indices = @transform_1, window_bounds = array<i64: 4096, 512>}, {transform_indices = @transform_2, window_bounds = array<i64: 512, 512>}]} {
    %get3A = arith.constant 0 : index
    %get3A_0 = arith.constant 0 : index
    %get3A_1 = vector.load %arg1[%get3A, %get3A_0] : memref<512x4096xf32, #tpu.memory_space<vmem>>, vector<512x4096xf32>
    %convert_element_type3A = arith.truncf %get3A_1 : vector<512x4096xf32> to vector<512x4096xbf16>
    %get3A_2 = arith.constant 0 : index
    %get3A_3 = arith.constant 0 : index
    %get3A_4 = vector.load %arg2[%get3A_2, %get3A_3] : memref<4096x512xf32, #tpu.memory_space<vmem>>, vector<4096x512xf32>
    %convert_element_type3A_5 = arith.truncf %get3A_4 : vector<4096x512xf32> to vector<4096x512xbf16>
    %dot_general3A = arith.constant dense<0.000000e+00> : vector<512x512xf32>
    %dot_general3A_6 = tpu.matmul %convert_element_type3A, %convert_element_type3A_5, %dot_general3A {dimension_numbers = #tpu.dot_dimension_numbers<[1], [0], [0], [1], [0, 0, 1, 1], [], []>, transpose_lhs_hint = false} : vector<512x4096xbf16>, vector<4096x512xbf16>, vector<512x512xf32> -> vector<512x512xf32>
    %jit3A = arith.constant -9.99999997E-7 : f32
    %jit3A_7 = arith.constant 9.99999997E-7 : f32
    %max3A = vector.broadcast %jit3A : f32 to vector<512x512xf32>
    %max3A_8 = arith.maximumf %max3A, %dot_general3A_6 : vector<512x512xf32>
    %min3A = vector.broadcast %jit3A_7 : f32 to vector<512x512xf32>
    %min3A_9 = arith.minimumf %min3A, %max3A_8 : vector<512x512xf32>
    %sub3A = arith.subf %dot_general3A_6, %min3A_9 : vector<512x512xf32>
    %swap3A = arith.constant 0 : index
    %swap3A_10 = arith.constant 0 : index
    %swap3A_11 = vector.load %arg3[%swap3A, %swap3A_10] : memref<512x512xf32, #tpu.memory_space<vmem>>, vector<512x512xf32>
    tpu.vector_store %arg3[%swap3A, %swap3A_10], %sub3A {strides = array<i32>} : memref<512x512xf32, #tpu.memory_space<vmem>>, vector<512x512xf32>,
    return
  }
  func.func @transform_0(%arg0: i32) -> (i32, i32) {
    %c0_i32 = arith.constant 0 : i32
    %c0_i32_0 = arith.constant 0 : i32
    return %arg0, %c0_i32 : i32, i32
  }
  func.func @transform_1(%arg0: i32) -> (i32, i32) {
    %c0_i32 = arith.constant 0 : i32
    %c0_i32_0 = arith.constant 0 : i32
    %c0_i32_1 = arith.constant 0 : i32
    return %c0_i32, %c0_i32_0 : i32, i32
  }
  func.func @transform_2(%arg0: i32) -> (i32, i32) {
    %c0_i32 = arith.constant 0 : i32
    %c0_i32_0 = arith.constant 0 : i32
    return %arg0, %c0_i32 : i32, i32
  }
}

</mosaic_0001>

<sc_bundles>
// kernel: gather_offload_async_start
scs
__scs_entry_jumppad:
0x0: {  	(pc) =	sbr.rel $0x88, $3  }
0x1: {  	(tag) =	ssettag $0x0;
	lr =	simm.s32 $0x1  }
0x2: {  	[smem:$0x3F9D] =	sst lr;
	_ =	strace $0xD0000000  }
0x3: {  	_ = 	snop  }
0x4: {  	_ = 	snop  }
0x5: {  	_ = 	snop  }
0x6: {  	_ = 	snop  }
0x7: {  	_ = 	snop  }
__scs_overlays_trampoline_lowered:
0x8: {  	[smem:$0x3FAC] =	sst s0  }
0x9: {  	[smem:$0x3FAD] =	sst s1  }
0xa: {  	[smem:$0x3FAE] =	sst s2  }
0xb: {  	[smem:$0x3FAF] =	sst s3  }
0xc: {  	[smem:$0x3FB0] =	sst s4  }
0xd: {  	[smem:$0x3FB1] =	sst s5  }
0xe: {  	[smem:$0x3FB2] =	sst s6  }
0xf: {  	[smem:$0x3FB3] =	sst s7  }
0x10: {  	[smem:$0x3FB4] =	sst s8  }
0x11: {  	[smem:$0x3FB5] =	sst s9;
	s0 =	simm.s32 @!p0 $0x0  }
0x12: {  	s1 =	sld [smem:$0x3F9B];
	s0 =	simm.s32 @p0 $0x1  }
0x13: {  	[smem:$0x3FB6] =	sst s0;
	s0 =	simm.s32 @!p1 $0x0  }
0x14: {  	s2 =	sld [smem:$0x3F9A];
	s0 =	simm.s32 @p1 $0x1  }
0x15: {  	[smem:$0x3FB7] =	sst s0;
	s0 =	simm.s32 @!p2 $0x0  }
0x16: {  	s3 =	sld [smem:$0x3FDB];
	s0 =	simm.s32 @p2 $0x1  }
0x17: {  	s4 =	simm.s32 $0x1BF5;
	[smem:$0x3FB9] =	sst s0  }
0x18: {  	s0 =	sld [smem:$0x3F9C];
	_ =	swait.ge [sflag:s4], $0x0  }
0x19: {  	s7 =	sld [smem:$0x3F9D]  }
0x1a: {  	s8 =	sadd.s32 $0xFFFFE003, lr  }
0x1b: {  	s9 =	sadd.s32 $0xFFFFFEF7, lr;
	s5 =	simm.s32 $0xFFFFFFFF;
	p2 =	slt.u32 s8, $0xFFFFF086  }
0x1c: {  	p1 =	slt.u32 s9, $0xF7A;
	s5 =	simm.s32 @!p2 $0x0  }
0x1d: {  	s5 =	simm.s32 @p1 $0x1;
	p0 =	seq.s32 s7, s2  }
0x1e: {  	s7 =	smul.u32 @!p0 $0xF7A, s2;
	p2 =	seq.s32 @!p0 s5, $0x0  }
0x1f: {  	s9 =	smul.u32 $0xF7A, s1;
	s8 =	simm.s32 @!p0 $0x1BF5;
	p2 =	por !p2, p0  }
0x20: {  	[sflag:s8] =	ssyncset.s32 @!p0 $0xFFFFF086;
	s6 =	sadd.s32 @!p0 s3, s7;
	s7 =	simm.s32 @!p0 $0x108  }
0x21: {  	s3 =	sadd.s32 s3, s9;
	s6 =	sadd.s32 @!p0 $0x88, s6;
	s7 =	simm.s32 @p2 $0x1082  }
0x22: {  	[simem:s7], [sflag:s8] =	dma.local @!p0 [hbm:s6], $0xF7A  }
0x23: {  	s9 =	sor.u32 $0xD0000000, s2;
	s6 =	simm.s32 $0x108;
	_ =	swait.ge @!p0 [sflag:s8], $0x0  }
0x24: {  	s3 =	sadd.s32 $0x88, s3;
	s6 =	simm.s32 @!p1 $0x1082;
	[sflag:s4] =	ssyncset.s32 $0xFFFFF086  }
0x25: {  	[simem:s6], [sflag:s4] =	dma.local [hbm:s3], $0xF7A  }
0x26: {  	[smem:$0x3F9D] =	sst s1;
	(tag) =	ssettag s2;
	_ =	strace s9  }
0x27: {  	s1 =	sld [smem:$0x3FAD]  }
0x28: {  	s2 =	sld [smem:$0x3FAE]  }
0x29: {  	s4 =	sld [smem:$0x3FB0]  }
0x2a: {  	p0 =	seq.s32 s5, $0x0;
	s5 =	sld [smem:$0x3FB1]  }
0x2b: {  	s6 =	sld [smem:$0x3FB2]  }
0x2c: {  	s7 =	sld [smem:$0x3FB3]  }
0x2d: {  	s3 =	simm.s32 $0x108;
	s8 =	sld [smem:$0x3FB4]  }
0x2e: {  	s3 =	simm.s32 @!p0 $0x1082;
	s9 =	sld [smem:$0x3FB5]  }
0x2f: {  	lr =	sadd.s32 s0, s3;
	s0 =	sld [smem:$0x3FAC]  }
0x30: {  	s3 =	sld [smem:$0x3FAF]  }
0x31: {  	[smem:$0x3FB8] =	sst s10  }
0x32: {  	s10 =	sld [smem:$0x3FB6];
	_ =	sdelay $0x3  }
0x33: {  	p0 =	seq.s32 s10, $0x1;
	s10 =	sld [smem:$0x3FB8];
	_ =	sdelay $0x3  }
0x34: {  	[smem:$0x3FB8] =	sst s10  }
0x35: {  	s10 =	sld [smem:$0x3FB7];
	_ =	sdelay $0x3  }
0x36: {  	p1 =	seq.s32 s10, $0x1;
	s10 =	sld [smem:$0x3FB8];
	_ =	sdelay $0x3  }
0x37: {  	[smem:$0x3FB8] =	sst s10  }
0x38: {  	s10 =	sld [smem:$0x3FB9]  }
0x39: {  	_ = 	snop;
	(pc) =	sbr.ind lr, $3  }
0x3a: {  	_ = 	snop  }
0x3b: {  	_ = 	snop  }
0x3c: {  	p2 =	seq.s32 s10, $0x1;
	s10 =	sld [smem:$0x3FB8]  }
0x3d: {  	_ =	shalt  }
0x3e: {  	_ =	shalt  }
0x3f: {  	_ =	shalt  }
0x40: {  	_ =	shalt  }
0x41: {  	_ =	shalt  }
0x42: {  	_ =	shalt  }
0x43: {  	_ =	shalt  }
0x44: {  	_ =	shalt  }
0x45: {  	_ =	shalt  }
0x46: {  	_ =	shalt  }
0x47: {  	_ =	shalt  }
0x48: {  	_ =	shalt  }
0x49: {  	_ =	shalt  }
0x4a: {  	_ =	shalt  }
0x4b: {  	_ =	shalt  }
0x4c: {  	_ =	shalt  }
0x4d: {  	_ =	shalt  }
0x4e: {  	_ =	shalt  }
0x4f: {  	_ =	shalt  }
0x50: {  	_ =	shalt  }
0x51: {  	_ =	shalt  }
0x52: {  	_ =	shalt  }
0x53: {  	_ =	shalt  }
0x54: {  	_ =	shalt  }
0x55: {  	_ =	shalt  }
0x56: {  	_ =	shalt  }
0x57: {  	_ =	shalt  }
0x58: {  	_ =	shalt  }
0x59: {  	_ =	shalt  }
0x5a: {  	_ =	shalt  }
0x5b: {  	_ =	shalt  }
0x5c: {  	_ =	shalt  }
0x5d: {  	_ =	shalt  }
0x5e: {  	_ =	shalt  }
0x5f: {  	_ =	shalt  }
0x60: {  	_ =	shalt  }
0x61: {  	_ =	shalt  }
0x62: {  	_ =	shalt  }
0x63: {  	_ =	shalt  }
0x64: {  	_ =	shalt  }
0x65: {  	_ =	shalt  }
0x66: {  	_ =	shalt  }
0x67: {  	_ =	shalt  }
0x68: {  	_ =	shalt  }
0x69: {  	_ =	shalt  }
0x6a: {  	_ =	shalt  }
0x6b: {  	_ =	shalt  }
0x6c: {  	_ =	shalt  }
0x6d: {  	_ =	shalt  }
0x6e: {  	_ =	shalt  }
0x6f: {  	_ =	shalt  }
0x70: {  	_ =	shalt  }
0x71: {  	_ =	shalt  }
0x72: {  	_ =	shalt  }
0x73: {  	_ =	shalt  }
0x74: {  	_ =	shalt  }
0x75: {  	_ =	shalt  }
0x76: {  	_ =	shalt  }
0x77: {  	_ =	shalt  }
0x78: {  	_ =	shalt  }
0x79: {  	_ =	shalt  }
0x7a: {  	_ =	shalt  }
0x7b: {  	_ =	shalt  }
0x7c: {  	_ =	shalt  }
0x7d: {  	_ =	shalt  }
0x7e: {  	_ =	shalt  }
0x7f: {  	_ =	shalt  }
0x80: {  	_ =	shalt  }
0x81: {  	_ =	shalt  }
0x82: {  	_ =	shalt  }
0x83: {  	_ =	shalt  }
0x84: {  	_ =	shalt  }
0x85: {  	_ =	shalt  }
0x86: {  	_ =	shalt  }
0x87: {  	_ =	shalt  }
.Lfunc_end0:
.L_simem_size_0:
called_computation_lowered:
.L_overlay_start_0:
0x88: {  	s2 =	sld [smem:$0x3FD9]  }
0x89: {  	s3 =	sld [smem:$0x3FFE];
	_ =	sdelay $0x1  }
0x8a: {  	s1 =	srdreg.scid  }
0x8b: {  	s0 =	sand.u32 $0x1, s1  }
0x8c: {  	s17 =	sshll.u32 s0, $0xA;
	s2 =	sadd.s32 s3, s2  }
0x8d: {  	s2 =	sadd.s32 s2, s17  }
0x8e: {  	[smem:$0x3FC4] =	sst s2  }
0x8f: {  	_ = 	snop  }
0x90: {  	s2 =	sld [smem:$0x3FC6]  }
0x91: {  	s18 =	sld [smem:$0x3FD0];
	(tm) =	ssettm $0x1  }
0x92: {  	s4 =	sld [smem:$0x3FFB];
	_ =	sdelay $0x3  }
0x93: {  	_ =	strace s4  }
0x94: {  	s4 =	sld [smem:$0x3FFC];
	_ =	sdelay $0x3  }
0x95: {  	_ =	strace s4  }
0x96: {  	s4 =	sld [smem:$0x3FFD];
	_ =	sdelay $0x3  }
0x97: {  	_ =	strace s4  }
0x98: {  	_ =	strace $0x8FFFFFFF  }
0x99: {  	s19 =	sld [smem:$0x3FDB];
	_ =	sdelay $0x1  }
0x9a: {  	s5 =	simm.s32 $_scs_section_size  }
0x9b: {  	s6 =	simm.s32 $_size__tile_overlayer_lowered;
	s7 =	simm.s32 $_tile_overlayer_lowered  }
0x9c: {  	s22 =	simm.s32 $0x1BFF;
	s21 =	sshll.u32 s7, $0x1;
	s4 =	sadd.s32 s5, s19  }
0x9d: {  	s8 =	simm.s32 $0x0;
	s20 =	sshll.u32 s6, $0x1;
	s6 =	sadd.s32 s21, s4  }
0x9e: {  	[timem:s8], [sflag:s22] =	dma.local [hbm:s6], s20  }
0x9f: {  	_ =	swait.ge [sflag:s22], s20  }
0xa0: {  	s5 =	ssub.s32 $0x0, s20;
	[sflag:s22] =	ssyncset.done $0x0  }
0xa1: {  	[sflag:s22] =	ssyncadd.s32 s5;
	_ =	sdelay $0x1  }
0xa2: {  	s23 =	simm.s32 $0x1B8B  }
0xa3: {  	_ =	swait.ge [sflag:s23], $0x1  }
0xa4: {  	[sflag:s23] =	ssyncset.done $0x0  }
0xa5: {  	s25 =	simm.s32 $0x1B8E;
	s24 =	sld [smem:$0x3FFE];
	[sflag:s23] =	ssyncadd.s32 $0xFFFFFFFF  }
0xa6: {  	s26 =	simm.s32 $execute0_lowered;
	[smem:$0x3FD2] =	sst s25  }
0xa7: {  	s6 =	sshll.u32 s26, $0x1;
	_ =	strace $0x80000046;
	[dreg:$0x1] =	wrdreg $0xFFFFFFFF  }
0xa8: {  	s28 =	simm.s32 $_size_execute0_lowered;
	s4 =	sadd.s32 s4, s6;
	[dreg:$0x0] =	wrdreg $0x0  }
0xa9: {  	s6 =	sshll.u32 s28, $0x1;
	[dreg:$0x2] =	wrdreg s4  }
0xaa: {  	[dreg:$0x3] =	wrdreg s6  }
0xab: {  	[dreg:$0x4] =	wrdreg $0xC0  }
0xac: {  	_ =	task [dreg:s8], $0x5FFFF  }
0xad: {  	[dreg:$0x1] =	wrdreg $0xFFFFFFFF  }
0xae: {  	[dreg:$0x0] =	wrdreg $0x60  }
0xaf: {  	[dreg:$0x2] =	wrdreg s2  }
0xb0: {  	[dreg:$0x3] =	wrdreg s18  }
0xb1: {  	[dreg:$0x4] =	wrdreg s24  }
0xb2: {  	[dreg:$0x5] =	wrdreg $0x9  }
0xb3: {  	_ =	task.clear_ibuf [dreg:s8], $0x6FFFF;
	_ =	strace $0x90000046  }
0xb4: {  	s29 =	simm.s32 $0x9;
	_ =	strace $0x80000048  }
0xb5: {  	_ =	swait.ge [sflag:s29], $0x1  }
0xb6: {  	[sflag:s29] =	ssyncadd.s32 $0xFFFFFFFF  }
0xb7: {  	_ =	strace $0x90000048  }
0xb8: {  	_ =	sfence  }
0xb9: {  	s30 =	sld [smem:$0x0];
	_ =	sdelay $0x2  }
0xba: {  	s31 =	sshll.u32 s1, $0xD;
	s1 =	sshrl.u32 s1, $0x2  }
0xbb: {  	s3 =	sand.u32 $0x4000, s31;
	s1 =	sadd.s32 s1, s30  }
0xbc: {  	s0 =	sor.u32 s3, s0;
	s1 =	sshll.u32 s1, $0x11  }
0xbd: {  	s0 =	sor.u32 s1, s0  }
0xbe: {  	s0 =	sadd.s32 $0x8F2B, s0  }
0xbf: {  	[sflag:s0] =	ssyncadd.remote.s32 $0x1  }
0xc0: {  	_ =	sfence.sel $0xFFFF  }
0xc1: {  	[dreg:$0x0] =	wrdreg $0xFFFFFFFF;
	(pc) =	sbr.abs _section_cstart, $3  }
0xc2: {  	[dreg:$0x1] =	wrdreg $0xFFFFFFFF  }
0xc3: {  	_ =	task.clear_ibuf [dreg:s8], $0x2FFFF;
	_ =	strace $0x9FFFFFFF  }
0xc4: {  	(tm) =	ssettm $0x7FFFFFFF  }
0xc5: {  	_ =	shalt  }
tec
execute0_lowered:
.L_overlay_start_1:
0x0: {  	(tag) =	ssettag $0x1  }
0x1: {  	s2 =	rddreg [dreg:$0x0]  }
0x2: {  	s1 =	srdreg.scid;
	s3 =	rddreg [dreg:$0x1]  }
0x3: {  	s0 =	stileid.u32;
	s5 =	rddreg [dreg:$0x2]  }
0x4: {  	s9 =	simm.s32 $0x1;
	s10 =	simm.s32 $0x3;
	s1 =	sshll.u32 s1, $0x6  }
0x5: {  	s13 =	simm.s32 $0x0;
	s4 =	sshll.u32 s0, $0x7;
	s6 =	sand.u32 $0x40, s1  }
0x6: {  	s12 =	simm.s32 $0x0;
	s5 =	sadd.s32 $0xE00, s5;
	s4 =	sor.u32 s4, s6  }
0x7: {  	s1 =	rddreg [dreg:$0x3];
	_ =	strace $0x80000047;
	s8 =	ssub.s32 $0x1000, s4  }
.Ltmp0:
0x8: {  	s6 =	simm.s32 $0x1;
	s7 =	sand.u32 $0x7C0, s8;
	(pc) =	sbr.rel .LBB2_1-.Ltmp0, $4  }
0x9: {  	[sflag:s6] =	ssyncpa.u1 $0x0;
	s11 =	smov.u32 s4;
	p0 =	sne.s32 s7, $0x0  }
0xa: {  	s8 =	sshrl.u32 s8, $0xB;
	s7 =	simm.s32 $0x2;
	s9 =	simm.s32 @!p0 $0x0  }
0xb: {  	[sflag:s7] =	ssyncpa.u1 $0x0;
	p0 =	por $0x0, $0x0;
	s8 =	sadd.s32 s9, s8  }
0xc: {  	vm0 =	vmmov $0xffff;
	[sflag:s10] =	ssyncpa.u1 $0x0;
	s10 =	simm.s32 $0x0;
	s9 =	sadd.s32 $0x1, s8  }
.LBB2_4:
0xd: {  	vm1 =	veq.s32 v0, $0x80000000;
	v63 =	vand.u32 $0xFFF, v0;
	v2 =	vand.u32 $0xFFF, v2  }
0xe: {  	v0 =	vsel vm1, $0xFFFFFFFF, v63;
	v2 =	vsel vm1, $0xFFFFFFFF, v2  }
0xf: {  	v3 =	vshll.u32 v0, $0xC;
	v4 =	vshll.u32 v2, $0x3  }
0x10: {  	v0 =	vshll.u32 v0, $0x7;
	v3 =	vand.u32 $0xFFFF8000, v3;
	v4 =	vand.u32 $0xFFFFFC00, v4  }
0x11: {  	v0 =	vand.u32 $0x380, v0;
	v3 =	vadd.s32 v3, v4  }
0x12: {  	v2 =	vand.u32 $0x7F, v2;
	v0 =	vor.u32 v0, v3  }
0x13: {  	v0 =	vor.u32 v2, v0;
	_ =	sdelay $0x1  }
0x14: {  	(ifvalue) =	ssetifvalue $0x7FFFFFFF;
	s14 =	sadd.s32 $0x10, s14  }
0x15: {  	[tilespmem:s14], [sflag:$0x1] =	stream.indirect_vreg.gather [hbm4b:s2+s10], $0x1, v1, vm0, $0x4038;
	[tilespmem:$0x100] =	vst v63  }
0x16: {  	(ifvalue) =	ssetifvalue $0x7FFFFFFF;
	s14 =	sadd.s32 $0x10, s14  }
0x17: {  	[tilespmem:s14], [sflag:$0x1] =	stream.indirect_vreg.gather [hbm4b:s2+s10], $0x1, v0, vm0, $0x4038;
	[tilespmem:$0x100] =	vst v63  }
0x18: {  	_ =	swait.ge [sflag:s6], $0x40  }
0x19: {  	s30 =	sshrl.u32 s13, $0x3;
	[sflag:s6] =	ssyncset.done $0x0  }
0x1a: {  	s31 =	sand.u32 $0x7, s13;
	s14 =	sadd.s32 s5, s30;
	[sflag:s6] =	ssyncadd.s32 $0xFFFFFFC0  }
0x1b: {  	[hbm4b:s14+s31] =	stream.linear.scatter [tilespmem:s15], [sflag:$0x3], $0x40, $0x38;
	[tilespmem:$0x100] =	vst v63  }
.LBB2_5:
0x1c: {  	s15 =	sadd.s32 $0x800, s11  }
0x1d: {  	p2 =	sgt.s32 s15, $0xFFF  }
0x1e: {  	s15 =	smov.u32 @p2 s4;
	p2 =	sne.s32 s12, s9  }
.Ltmp1:
0x1f: {  	p1 =	slt.u32 s12, $0x2;
	(pc) =	sbr.rel @!p2 .LBB2_6-.Ltmp1, $4  }
0x20: {  	s14 =	simm.s32 @!p1 $0x3  }
0x21: {  	s16 =	sadd.s32 $0x1, s12;
	_ =	swait.ge @!p1 [sflag:s14], $0x40  }
0x22: {  	s13 =	smov.u32 s11;
	p0 =	por !p0, !p0;
	[sflag:s14] =	ssyncset.done @!p1 $0x0  }
0x23: {  	s12 =	smov.u32 s16;
	s11 =	smov.u32 s15;
	[sflag:s14] =	ssyncadd.s32 @!p1 $0xFFFFFFC0  }
.LBB2_1:
0x24: {  	p1 =	sge.u32 s12, s8  }
0x25: {  	s14 =	sxor.u32 @!p1 $0xFFFFFFFF, s12  }
0x26: {  	s31 =	sadd.s32 $0xFFFFFFFF, s12;
	s15 =	sshrl.u32 @!p1 s11, $0x3;
	s14 =	sshll.u32 @!p1 s14, $0x6  }
0x27: {  	s16 =	sand.u32 @!p1 $0x7, s11;
	s15 =	sadd.s32 @!p1 s3, s15;
	s14 =	sand.u32 @!p1 $0x40, s14  }
0x28: {  	[tilespmem:s14], [sflag:$0x2] =	stream.linear.gather @!p1 [hbm4b:s15+s16], $0x40, $0x38;
	[tilespmem:$0x100] =	vst v63  }
0x29: {  	p1 =	sge.u32 s31, s8  }
.Ltmp2:
0x2a: {  	_ = 	snop;
	(pc) =	sbr.rel @p1 .LBB2_5-.Ltmp2, $1  }
0x2b: {  	_ =	sdelay $0x3  }
0x2c: {  	s14 =	simm.s32 $0x1  }
0x2d: {  	_ =	swait.ge [sflag:s7], $0x40;
	s14 =	simm.s32 @!p0 $0x0  }
0x2e: {  	[sflag:s7] =	ssyncset.done $0x0;
	s14 =	sshll.u32 s14, $0x6  }
0x2f: {  	[sflag:s7] =	ssyncadd.s32 $0xFFFFFFC0;
	(ifvalue) =	ssetifvalue $0x7FFFFFFF;
	v0 =	vld.msk [tilespmem:s14+$0x0 ss:$0x1], $0xffff;
	_ =	sdelay $0x3  }
0x30: {  	s15 =	sadd.s32 $0x10, s14  }
0x31: {  	v2 =	vld.msk [tilespmem:s15+$0x0 ss:$0x1], $0xffff;
	v1 =	vshrl.u32 v0, $0xC  }
0x32: {  	vm1 =	veq.s32 v0, $0x80000000;
	v0 =	vand.u32 $0xFFF, v0;
	v1 =	vand.u32 $0xFFF, v1  }
0x33: {  	v0 =	vsel vm1, $0xFFFFFFFF, v0;
	v1 =	vsel vm1, $0xFFFFFFFF, v1  }
0x34: {  	v3 =	vshll.u32 v0, $0xC;
	v4 =	vshll.u32 v1, $0x3  }
0x35: {  	v0 =	vshll.u32 v0, $0x7;
	v3 =	vand.u32 $0xFFFF8000, v3;
	v4 =	vand.u32 $0xFFFFFC00, v4  }
0x36: {  	vm1 =	veq.s32 v2, $0x80000000;
	v0 =	vand.u32 $0x380, v0;
	v3 =	vadd.s32 v3, v4  }
0x37: {  	v1 =	vand.u32 $0x7F, v1;
	v0 =	vor.u32 v0, v3;
	v3 =	vshrl.u32 v2, $0xC  }
0x38: {  	s17 =	sadd.s32 $0x10, s15;
	v2 =	vand.u32 $0xFFF, v2;
	v1 =	vor.u32 v1, v0;
	v3 =	vand.u32 $0xFFF, v3  }
0x39: {  	v0 =	vld.msk [tilespmem:s17+$0x0 ss:$0x1], $0xffff;
	v2 =	vsel vm1, $0xFFFFFFFF, v2;
	v3 =	vsel vm1, $0xFFFFFFFF, v3  }
0x3a: {  	v63 =	vshll.u32 v2, $0xC;
	v5 =	vshll.u32 v3, $0x3  }
0x3b: {  	s31 =	sshll.u32 s12, $0x6;
	v2 =	vshll.u32 v2, $0x7;
	v4 =	vand.u32 $0xFFFF8000, v63;
	v5 =	vand.u32 $0xFFFFFC00, v5  }
0x3c: {  	s14 =	sor.u32 $0x80, s14;
	s15 =	sand.u32 $0x40, s31;
	(ifvalue) =	ssetifvalue $0x7FFFFFFF;
	v2 =	vand.u32 $0x380, v2;
	v4 =	vadd.s32 v4, v5  }
0x3d: {  	[tilespmem:s14], [sflag:$0x1] =	stream.indirect_vreg.gather [hbm4b:s2+s10], $0x1, v1, vm0, $0x4038;
	v1 =	vand.u32 $0x7F, v3;
	v3 =	vor.u32 v2, v4;
	[tilespmem:$0x100] =	vst v63  }
0x3e: {  	s16 =	simm.s32 $0x20;
	s15 =	sor.u32 $0x80, s15;
	s17 =	sadd.s32 $0x10, s17;
	v2 =	vshrl.u32 v0, $0xC;
	v1 =	vor.u32 v1, v3  }
.LBB2_3:
0x3f: {  	s16 =	sadd.s32 $0x10, s16;
	vm1 =	veq.s32 v0, $0x80000000;
	v3 =	vand.u32 $0xFFF, v0;
	v0 =	vld.msk [tilespmem:s17+$0x0 ss:$0x1], $0xffff;
	v2 =	vand.u32 $0xFFF, v2  }
0x40: {  	p1 =	slt.u32 s16, $0x30;
	v3 =	vsel vm1, $0xFFFFFFFF, v3;
	v2 =	vsel vm1, $0xFFFFFFFF, v2  }
.Ltmp3:
0x41: {  	v4 =	vshll.u32 v3, $0xC;
	v5 =	vshll.u32 v2, $0x3;
	(pc) =	sbr.rel @p1 .LBB2_3-.Ltmp3, $4  }
0x42: {  	s14 =	sadd.s32 $0x10, s14;
	v3 =	vshll.u32 v3, $0x7;
	v4 =	vand.u32 $0xFFFF8000, v4;
	v5 =	vand.u32 $0xFFFFFC00, v5;
	(ifvalue) =	ssetifvalue $0x7FFFFFFF  }
0x43: {  	v3 =	vand.u32 $0x380, v3;
	v4 =	vadd.s32 v4, v5;
	[tilespmem:s14], [sflag:$0x1] =	stream.indirect_vreg.gather [hbm4b:s2+s10], $0x1, v1, vm0, $0x4038;
	[tilespmem:$0x100] =	vst v63  }
0x44: {  	v1 =	vand.u32 $0x7F, v2;
	v3 =	vor.u32 v3, v4  }
0x45: {  	s17 =	sadd.s32 $0x10, s17;
	v2 =	vshrl.u32 v0, $0xC;
	v1 =	vor.u32 v1, v3  }
.Ltmp4:
0x46: {  	_ = 	snop;
	(pc) =	sbr.rel .LBB2_4-.Ltmp4, $1  }
0x47: {  	_ =	sdelay $0x3  }
.LBB2_6:
0x48: {  	_ =	sfence.sel $0x180000  }
0x49: {  	s2 =	simm.s32 $0x2;
	[bflag:$0x0] =	sbarrier.arrive $0xFFFF  }
0x4a: {  	s30 =	simm.s32 $0x3;
	[sflag:s2] =	ssyncpa.u1 $0x1  }
0x4b: {  	s31 =	simm.s32 $0x1;
	[sflag:s30] =	ssyncpa.u1 $0x1  }
0x4c: {  	[sflag:s31] =	ssyncpa.u1 $0x1  }
0x4d: {  	p0 =	sne.s32 s0, $0x0;
	_ =	strace $0x90000047  }
0x4e: {  	s0 =	sadd.s32 @!p0 $0x100000, s1;
	[bflag:$0x2] =	sbarrier.arrive $0xFFFF  }
0x4f: {  	[sflag:s0] =	ssyncadd.tile.s32 @!p0 $0x1;
	_ =	shalt  }
.Lfunc_end2:
_tile_overlayer_lowered:
.L_overlay_start_2:
0x50: {  	(tag) =	ssettag $0x2  }
0x51: {  	s0 =	rddreg [dreg:$0x0];
	s2 =	stileid.u32  }
0x52: {  	s1 =	rddreg [dreg:$0x1];
	p0 =	sne.s32 s2, $0x0  }
0x53: {  	s3 =	rddreg [dreg:$0x2];
	[bflag:$0x3] =	sbarrier.arrive $0xFFFF;
	s2 =	simm.s32 @!p0 $0x1C01  }
0x54: {  	[timem:s3], [sflag:s2] =	dma.local @!p0 [hbm:s0], s1  }
0x55: {  	s0 =	simm.s32 @!p0 $0x1  }
0x56: {  	_ =	swait.ge @!p0 [sflag:s0], s1  }
0x57: {  	s1 =	ssub.s32 @!p0 $0x0, s1;
	[sflag:s0] =	ssyncset.done @!p0 $0x0  }
0x58: {  	[sflag:s0] =	ssyncadd.s32 @!p0 s1  }
0x59: {  	[bflag:$0x3] =	sbarrier.arrive $0xFFFF  }
0x5a: {  	_ =	shalt  }

</sc_bundles>
